<compile_context>
chip_gen: v7x
topology: tpu7x:2x2x1
jax: 0.10.2.dev20260603
libtpu: 0.0.44.dev20260713+nightly
codegen_flags: <defaults>
</compile_context>

<pallas_src>
import functools
import math

import jax
import jax.numpy as jnp
from jax import lax
from jax.experimental import pallas as pl
from jax.experimental.pallas import tpu as pltpu
from jax.experimental.pallas import tpu_sc as plsc

D = 128
HALF = 64
TAB = 208
STARTPOS = 1025.0
LOG_BASE = math.log(10000.0) / (HALF - 1)


def _table_body(o_ref):
    ri = lax.broadcasted_iota(jnp.int32, (TAB, D), 0)
    c = lax.broadcasted_iota(jnp.int32, (TAB, D), 1)
    r = ri.astype(jnp.float32)
    k = jnp.where(c < HALF, c, c - HALF).astype(jnp.float32)
    freq = jnp.exp(k * (-LOG_BASE))
    ang = (STARTPOS + r) * freq
    val = jnp.where(c < HALF, jnp.sin(ang), jnp.cos(ang))
    dead = (ri == 1) | (ri > 201)
    o_ref[...] = jnp.where(dead, 0.0, val)


def _build_table():
    return pl.pallas_call(
        _table_body,
        out_shape=jax.ShapeDtypeStruct((TAB, D), jnp.float32),
    )()


def _sc_kernel(seq_len, rows_per_w, nc, table_hbm, inp_hbm, out_hbm,
               tab_sh, inp_v, pos_v, row_a, row_b, sem_a, sem_b):
    n_chunks = rows_per_w * seq_len // D
    cid = lax.axis_index("c")
    sid = lax.axis_index("s")
    wid = sid * nc + cid
    row0 = wid * rows_per_w
    obase = row0 * seq_len

    @pl.when(sid == 0)
    def _():
        pltpu.sync_copy(table_hbm, tab_sh)
    plsc.subcore_barrier()

    pltpu.sync_copy(inp_hbm.at[pl.ds(obase, rows_per_w * seq_len)], inp_v)

    lane = lax.iota(jnp.int32, 16)

    def seq_body(j, carry):
        s_vec, done, off = carry
        tok = plsc.load_gather(inp_v, [off])
        s_vec = jnp.where(tok == 4, j, s_vec)
        done = jnp.where(tok == 1, 1, done)
        pos = jnp.where(done > 0, 1, (j + 2) - s_vec)
        plsc.store_scatter(pos_v, [off], pos)
        return s_vec, done, off + 1

    def grp_body(g, _):
        off = (lane + g * 16) * seq_len
        zero = jnp.zeros((16,), jnp.int32)
        lax.fori_loop(0, seq_len, seq_body, (zero, zero, off))
        return 0

    lax.fori_loop(0, rows_per_w // 16, grp_body, 0)

    def gather(k, buf, sem):
        idx = pos_v.at[pl.ds(k * D, D)]
        pltpu.async_copy(tab_sh.at[idx], buf, sem)

    gather(0, row_a, sem_a)

    def chunk_body(k, _):
        even = lax.rem(k, 2) == 0
        buf, sem = row_a, sem_a

        @pl.when(k + 1 < n_chunks)
        def _():
            @pl.when(even)
            def _():
                gather(k + 1, row_b, sem_b)

            @pl.when(jnp.logical_not(even))
            def _():
                gather(k + 1, row_a, sem_a)

        @pl.when(even)
        def _():
            idx = pos_v.at[pl.ds(k * D, D)]
            pltpu.make_async_copy(tab_sh.at[idx], row_a, sem_a).wait()
            pltpu.sync_copy(row_a, out_hbm.at[pl.ds(obase + k * D, D)])

        @pl.when(jnp.logical_not(even))
        def _():
            idx = pos_v.at[pl.ds(k * D, D)]
            pltpu.make_async_copy(tab_sh.at[idx], row_b, sem_b).wait()
            pltpu.sync_copy(row_b, out_hbm.at[pl.ds(obase + k * D, D)])

        return 0

    lax.fori_loop(0, n_chunks, chunk_body, 0)


def _lookup(table, inp):
    bsz, seq_len = inp.shape
    info = plsc.get_sparse_core_info()
    nw = info.num_cores * info.num_subcores
    rows_per_w = bsz // nw
    n_chunks = rows_per_w * seq_len // D
    mesh = plsc.VectorSubcoreMesh(core_axis_name="c", subcore_axis_name="s")
    body = functools.partial(_sc_kernel, seq_len, rows_per_w,
                             info.num_cores)
    return pl.kernel(
        body,
        out_type=jax.ShapeDtypeStruct((bsz * seq_len, D), jnp.float32),
        mesh=mesh,
        scratch_types=[
            pltpu.VMEM_SHARED((TAB, D), jnp.float32),
            pltpu.VMEM((rows_per_w * seq_len,), jnp.int32),
            pltpu.VMEM((rows_per_w * seq_len,), jnp.int32),
            pltpu.VMEM((D, D), jnp.float32),
            pltpu.VMEM((D, D), jnp.float32),
            pltpu.SemaphoreType.DMA,
            pltpu.SemaphoreType.DMA,
        ],
        compiler_params=pltpu.CompilerParams(
            needs_layout_passes=False,
            use_tc_tiling_on_sc=False,
        ),
    )(table, inp.reshape(-1))


def kernel(input):
    bsz, seq_len = input.shape
    table = _build_table()
    out = _lookup(table, input)
    return out.reshape(bsz, seq_len, D)

# --- scband reference (transcript-rebuilt; emitter-appended) ---
"""Pipeline reference for scband-cons-posi-emb-40192303956653 (READ-ONLY COPY).

The authoritative reference and input builder live on the scoring server;
editing this copy changes nothing except your own understanding.
"""

import jax, jax.numpy as jnp
import numpy as np
import math

EMBEDDING_DIM = 128
PADDING_IDX = 1
SEP_ID = 4
STARTPOS = 1025
BSZ = 4096
SEQ_LEN = 200


def get_embedding(num_cons, embedding_dim, padding_idx=None, startpos=1025):
    half_dim = embedding_dim // 2
    e = math.log(10000) / (half_dim - 1)
    e = jnp.exp(jnp.arange(half_dim, dtype=jnp.float32) * -e)
    e = jnp.arange(startpos, startpos + num_cons, dtype=jnp.float32)[:, None] * e[None, :]
    e = jnp.concatenate([jnp.sin(e), jnp.cos(e)], axis=1).reshape(num_cons, -1)
    if embedding_dim % 2 == 1:
        e = jnp.concatenate([e, jnp.zeros((num_cons, 1), dtype=jnp.float32)], axis=1)
    if padding_idx is not None:
        e = e.at[padding_idx].set(0.0)
    return e


def get_positions(tensor, padding_idx, sep_id=4):
    # Faithful vectorization of the per-row loop:
    #   break at first padding token (rest stays 1);
    #   sep tokens get position 2; others get prev+1; initial prev is 1
    #   (torch reads sep_cons[b, -1] == 1 at j == 0).
    bsz, clen = tensor.shape

    def step(carry, tok):
        prev, done = carry
        is_pad = tok == padding_idx
        done = done | is_pad
        val = jnp.where(done, jnp.ones_like(prev),
                        jnp.where(tok == sep_id, jnp.full_like(prev, 2), prev + 1))
        return (val, done), val

    init = (jnp.ones((bsz,), dtype=jnp.int32), jnp.zeros((bsz,), dtype=bool))
    _, pos = jax.lax.scan(step, init, tensor.T)
    return pos.T


def setup_inputs(seed: int = 0) -> dict:
    key = jax.random.key(seed)
    inp = jax.random.randint(key, (BSZ, SEQ_LEN), 0, 100000, dtype=jnp.int32)
    return {"input": inp}


def reference(input) -> jnp.ndarray:
    bsz, seq_len = input.shape
    max_pos = PADDING_IDX + 1 + seq_len  # forward rebuilds weights since init_size=20 < max_pos
    weights = get_embedding(max_pos, EMBEDDING_DIM, PADDING_IDX, STARTPOS)
    positions = get_positions(input, PADDING_IDX, SEP_ID)
    return jnp.take(weights, positions.reshape(-1), axis=0).reshape(bsz, seq_len, -1)

if __name__ == "__main__":
    import jax
    _d = setup_inputs()
    print(jax.jit(kernel)(*tuple(_d.values())))

</pallas_src>

<mosaic_0001>
#map = affine_map<(d0, d1) -> (0, 0)>
#map1 = affine_map<(d0, d1) -> (0)>
module attributes {stable_mosaic.version = 14 : i64} {
  func.func @_sc_kernel(%arg0: i32, %arg1: i32, %arg2: memref<208x128xf32, #tpu.memory_space<hbm>>, %arg3: memref<819200xi32, #tpu.memory_space<hbm>>, %arg4: memref<819200x128xf32, #tpu.memory_space<hbm>>, %arg5: memref<208x128xf32, #tpu.memory_space<vmem_shared>>, %arg6: memref<25600xi32, #tpu.memory_space<vmem>>, %arg7: memref<25600xi32, #tpu.memory_space<vmem>>, %arg8: memref<128x128xf32, #tpu.memory_space<vmem>>, %arg9: memref<128x128xf32, #tpu.memory_space<vmem>>, %arg10: memref<!tpu.dma_semaphore, #tpu.memory_space<semaphore_mem>>, %arg11: memref<!tpu.dma_semaphore, #tpu.memory_space<semaphore_mem>>) attributes {dimension_semantics = [#tpu.dimension_semantics<core_parallel>, #tpu.dimension_semantics<subcore_parallel>], iteration_bounds = array<i64: 2, 16>, scalar_prefetch = 0 : i64, scratch_operands = 7 : i64, tpu.core_type = #tpu.core_type<sc_vector_subcore>, window_params = [{transform_indices = #map}, {transform_indices = #map1}, {transform_indices = #map}]} {
    %mul3A = arith.constant 2 : i32
    %mul3A_0 = arith.muli %arg1, %mul3A : i32
    %add3A = arith.addi %mul3A_0, %arg0 : i32
    %mul3A_1 = arith.constant 128 : i32
    %mul3A_2 = arith.muli %add3A, %mul3A_1 : i32
    %mul3A_3 = arith.constant 200 : i32
    %mul3A_4 = arith.muli %mul3A_2, %mul3A_3 : i32
    %eq3A = arith.constant 0 : i32
    %eq3A_5 = arith.cmpi eq, %arg1, %eq3A : i32
    %convert_element_type3A = arith.extui %eq3A_5 : i1 to i32
    %cond3A = arith.constant 0 : i32
    %cond3A_6 = arith.cmpi ne, %convert_element_type3A, %cond3A : i32
    scf.if %cond3A_6 {
      "tpu.region"() ({
        %run_scoped3A = tpu.sem_alloc : memref<!tpu.dma_semaphore, #tpu.memory_space<semaphore_mem>>
        tpu.enqueue_dma source(%arg2 : memref<208x128xf32, #tpu.memory_space<hbm>>) target(%arg5 : memref<208x128xf32, #tpu.memory_space<vmem_shared>>) target_semaphore(%run_scoped3A : memref<!tpu.dma_semaphore, #tpu.memory_space<semaphore_mem>>)
        tpu.wait_dma2 semaphore(%run_scoped3A : memref<!tpu.dma_semaphore, #tpu.memory_space<semaphore_mem>>) src(%arg2 : memref<208x128xf32, #tpu.memory_space<hbm>>) dst(%arg5 : memref<208x128xf32, #tpu.memory_space<vmem_shared>>)
        tpu.yield
      }) : () -> ()
    } else {
    }
    %barrier3A = arith.constant 0 : index
    tpu.barrier barrier_id(%barrier3A)
    "tpu.region"() ({
      %run_scoped3A = tpu.sem_alloc : memref<!tpu.dma_semaphore, #tpu.memory_space<semaphore_mem>>
      %dma_start3A_24 = tpu.memref_slice %arg3[%mul3A_4] : memref<819200xi32, #tpu.memory_space<hbm>> -> memref<25600xi32, #tpu.memory_space<hbm>>
      %dma_start3A_25 = tpu.memref_slice %arg3[%mul3A_4] : memref<819200xi32, #tpu.memory_space<hbm>> -> memref<25600xi32, #tpu.memory_space<hbm>>
      tpu.enqueue_dma source(%dma_start3A_25 : memref<25600xi32, #tpu.memory_space<hbm>>) target(%arg6 : memref<25600xi32, #tpu.memory_space<vmem>>) target_semaphore(%run_scoped3A : memref<!tpu.dma_semaphore, #tpu.memory_space<semaphore_mem>>)
      %dma_wait3A = tpu.memref_slice %arg3[%mul3A_4] : memref<819200xi32, #tpu.memory_space<hbm>> -> memref<25600xi32, #tpu.memory_space<hbm>>
      %dma_wait3A_26 = tpu.memref_slice %arg3[%mul3A_4] : memref<819200xi32, #tpu.memory_space<hbm>> -> memref<25600xi32, #tpu.memory_space<hbm>>
      tpu.wait_dma2 semaphore(%run_scoped3A : memref<!tpu.dma_semaphore, #tpu.memory_space<semaphore_mem>>) src(%dma_wait3A_26 : memref<25600xi32, #tpu.memory_space<hbm>>) dst(%arg6 : memref<25600xi32, #tpu.memory_space<vmem>>)
      tpu.yield
    }) : () -> ()
    %iota3A = tpu.iota {dimensions = array<i32: 0>} : vector<16xi32>
    %scan3A = arith.constant 0 : i32
    %scan3A_7 = arith.constant 0 : i32
    %scan3A_8 = arith.constant 8 : i32
    %scan3A_9 = arith.addi %scan3A_7, %scan3A_8 : i32
    %scan3A_10 = arith.constant 1 : i32
    %scan3A_11 = scf.for %scan3A_24 = %scan3A_7 to %scan3A_9 step %scan3A_10 iter_args(%scan3A_25 = %scan3A) -> (i32)  : i32 {
      %mul3A_26 = arith.constant 16 : i32
      %mul3A_27 = arith.muli %scan3A_24, %mul3A_26 : i32
      %add3A_28 = vector.broadcast %mul3A_27 : i32 to vector<16xi32>
      %add3A_29 = arith.addi %iota3A, %add3A_28 : vector<16xi32>
      %mul3A_30 = arith.constant 200 : i32
      %mul3A_31 = vector.broadcast %mul3A_30 : i32 to vector<16xi32>
      %mul3A_32 = arith.muli %add3A_29, %mul3A_31 : vector<16xi32>
      %broadcast_in_dim3A = arith.constant 0 : i32
      %broadcast_in_dim3A_33 = vector.broadcast %broadcast_in_dim3A : i32 to vector<16xi32>
      %scan3A_34 = arith.constant 0 : i32
      %scan3A_35 = arith.constant 200 : i32
      %scan3A_36 = arith.addi %scan3A_34, %scan3A_35 : i32
      %scan3A_37 = arith.constant 1 : i32
      %scan3A_38:3 = scf.for %scan3A_41 = %scan3A_34 to %scan3A_36 step %scan3A_37 iter_args(%scan3A_42 = %broadcast_in_dim3A_33, %scan3A_43 = %broadcast_in_dim3A_33, %scan3A_44 = %mul3A_32) -> (vector<16xi32>, vector<16xi32>, vector<16xi32>)  : i32 {
        %gather3A = tpu.vector_load_idx %arg6[%scan3A_44] : memref<25600xi32, #tpu.memory_space<vmem>>[vector<16xi32>], vector<16xi32>,
        %eq3A_45 = arith.constant 4 : i32
        %eq3A_46 = vector.broadcast %eq3A_45 : i32 to vector<16xi32>
        %eq3A_47 = arith.cmpi eq, %gather3A, %eq3A_46 : vector<16xi32>
        %broadcast_in_dim3A_48 = vector.broadcast %scan3A_41 : i32 to vector<16xi32>
        %select_n3A = arith.select %eq3A_47, %broadcast_in_dim3A_48, %scan3A_42 : vector<16xi1>, vector<16xi32>
        %eq3A_49 = arith.constant 1 : i32
        %eq3A_50 = vector.broadcast %eq3A_49 : i32 to vector<16xi32>
        %eq3A_51 = arith.cmpi eq, %gather3A, %eq3A_50 : vector<16xi32>
        %jit3A = arith.constant 1 : i32
        %broadcast_in_dim3A_52 = vector.broadcast %jit3A : i32 to vector<16xi32>
        %select_n3A_53 = arith.select %eq3A_51, %broadcast_in_dim3A_52, %scan3A_43 : vector<16xi1>, vector<16xi32>
        %gt3A = arith.constant 0 : i32
        %gt3A_54 = vector.broadcast %gt3A : i32 to vector<16xi32>
        %gt3A_55 = arith.cmpi sgt, %select_n3A_53, %gt3A_54 : vector<16xi32>
        %add3A_56 = arith.constant 2 : i32
        %add3A_57 = arith.addi %scan3A_41, %add3A_56 : i32
        %sub3A = vector.broadcast %add3A_57 : i32 to vector<16xi32>
        %sub3A_58 = arith.subi %sub3A, %select_n3A : vector<16xi32>
        %jit3A_59 = arith.constant 1 : i32
        %broadcast_in_dim3A_60 = vector.broadcast %jit3A_59 : i32 to vector<16xi32>
        %select_n3A_61 = arith.select %gt3A_55, %broadcast_in_dim3A_60, %sub3A_58 : vector<16xi1>, vector<16xi32>
        tpu.vector_store_idx %arg7[%scan3A_44], %select_n3A_61 : memref<25600xi32, #tpu.memory_space<vmem>>[vector<16xi32>], vector<16xi32>,
        %add3A_62 = arith.constant 1 : i32
        %add3A_63 = vector.broadcast %add3A_62 : i32 to vector<16xi32>
        %add3A_64 = arith.addi %scan3A_44, %add3A_63 : vector<16xi32>
        scf.yield %select_n3A, %select_n3A_53, %add3A_64 : vector<16xi32>, vector<16xi32>, vector<16xi32>
      }
      %scan3A_39 = arith.constant 200 : i32
      %scan3A_40 = arith.constant 0 : i32
      scf.yield %scan3A_40 : i32
    }
    %scan3A_12 = arith.constant 8 : i32
    %dma_start3A = arith.constant 0 : i32
    %dma_start3A_13 = tpu.memref_slice %arg7[%dma_start3A] : memref<25600xi32, #tpu.memory_space<vmem>> -> memref<128xi32, #tpu.memory_space<vmem>>
    %dma_start3A_14 = arith.constant 0 : i32
    %dma_start3A_15 = arith.constant 0 : i32
    %dma_start3A_16 = tpu.memref_slice %arg5[%dma_start3A_14, %dma_start3A_15] : memref<208x128xf32, #tpu.memory_space<vmem_shared>> -> memref<208x128xf32, #tpu.memory_space<vmem_shared>>
    tpu.enqueue_indirect_dma source(%dma_start3A_16 : memref<208x128xf32, #tpu.memory_space<vmem_shared>>) target(%arg8 : memref<128x128xf32, #tpu.memory_space<vmem>>) offsets(%dma_start3A_13 : memref<128xi32, #tpu.memory_space<vmem>>) semaphore(%arg10 : memref<!tpu.dma_semaphore, #tpu.memory_space<semaphore_mem>>)
    %scan3A_17 = arith.constant 0 : i32
    %scan3A_18 = arith.constant 0 : i32
    %scan3A_19 = arith.constant 200 : i32
    %scan3A_20 = arith.addi %scan3A_18, %scan3A_19 : i32
    %scan3A_21 = arith.constant 1 : i32
    %scan3A_22 = scf.for %scan3A_24 = %scan3A_18 to %scan3A_20 step %scan3A_21 iter_args(%scan3A_25 = %scan3A_17) -> (i32)  : i32 {
      %rem3A = arith.constant 2 : i32
      %rem3A_26 = arith.remsi %scan3A_24, %rem3A : i32
      %eq3A_27 = arith.constant 0 : i32
      %eq3A_28 = arith.cmpi eq, %rem3A_26, %eq3A_27 : i32
      %add3A_29 = arith.constant 1 : i32
      %add3A_30 = arith.addi %scan3A_24, %add3A_29 : i32
      %lt3A = arith.constant 200 : i32
      %lt3A_31 = arith.cmpi slt, %add3A_30, %lt3A : i32
      %convert_element_type3A_32 = arith.extui %lt3A_31 : i1 to i32
      %cond3A_33 = arith.constant 0 : i32
      %cond3A_34 = arith.cmpi ne, %convert_element_type3A_32, %cond3A_33 : i32
      scf.if %cond3A_34 {
        %convert_element_type3A_43 = arith.extui %eq3A_28 : i1 to i32
        %cond3A_44 = arith.constant 0 : i32
        %cond3A_45 = arith.cmpi ne, %convert_element_type3A_43, %cond3A_44 : i32
        scf.if %cond3A_45 {
          %add3A_51 = arith.constant 1 : i32
          %add3A_52 = arith.addi %scan3A_24, %add3A_51 : i32
          %mul3A_53 = arith.constant 128 : i32
          %mul3A_54 = arith.muli %add3A_52, %mul3A_53 : i32
          %dma_start3A_55 = tpu.memref_slice %arg7[%mul3A_54] : memref<25600xi32, #tpu.memory_space<vmem>> -> memref<128xi32, #tpu.memory_space<vmem>>
          %dma_start3A_56 = arith.constant 0 : i32
          %dma_start3A_57 = arith.constant 0 : i32
          %dma_start3A_58 = tpu.memref_slice %arg5[%dma_start3A_56, %dma_start3A_57] : memref<208x128xf32, #tpu.memory_space<vmem_shared>> -> memref<208x128xf32, #tpu.memory_space<vmem_shared>>
          tpu.enqueue_indirect_dma source(%dma_start3A_58 : memref<208x128xf32, #tpu.memory_space<vmem_shared>>) target(%arg9 : memref<128x128xf32, #tpu.memory_space<vmem>>) offsets(%dma_start3A_55 : memref<128xi32, #tpu.memory_space<vmem>>) semaphore(%arg11 : memref<!tpu.dma_semaphore, #tpu.memory_space<semaphore_mem>>)
        } else {
        }
        %not3A_46 = arith.constant true
        %not3A_47 = arith.xori %eq3A_28, %not3A_46 : i1
        %convert_element_type3A_48 = arith.extui %not3A_47 : i1 to i32
        %cond3A_49 = arith.constant 0 : i32
        %cond3A_50 = arith.cmpi ne, %convert_element_type3A_48, %cond3A_49 : i32
        scf.if %cond3A_50 {
          %add3A_51 = arith.constant 1 : i32
          %add3A_52 = arith.addi %scan3A_24, %add3A_51 : i32
          %mul3A_53 = arith.constant 128 : i32
          %mul3A_54 = arith.muli %add3A_52, %mul3A_53 : i32
          %dma_start3A_55 = tpu.memref_slice %arg7[%mul3A_54] : memref<25600xi32, #tpu.memory_space<vmem>> -> memref<128xi32, #tpu.memory_space<vmem>>
          %dma_start3A_56 = arith.constant 0 : i32
          %dma_start3A_57 = arith.constant 0 : i32
          %dma_start3A_58 = tpu.memref_slice %arg5[%dma_start3A_56, %dma_start3A_57] : memref<208x128xf32, #tpu.memory_space<vmem_shared>> -> memref<208x128xf32, #tpu.memory_space<vmem_shared>>
          tpu.enqueue_indirect_dma source(%dma_start3A_58 : memref<208x128xf32, #tpu.memory_space<vmem_shared>>) target(%arg8 : memref<128x128xf32, #tpu.memory_space<vmem>>) offsets(%dma_start3A_55 : memref<128xi32, #tpu.memory_space<vmem>>) semaphore(%arg10 : memref<!tpu.dma_semaphore, #tpu.memory_space<semaphore_mem>>)
        } else {
        }
      } else {
      }
      %convert_element_type3A_35 = arith.extui %eq3A_28 : i1 to i32
      %cond3A_36 = arith.constant 0 : i32
      %cond3A_37 = arith.cmpi ne, %convert_element_type3A_35, %cond3A_36 : i32
      scf.if %cond3A_37 {
        %mul3A_43 = arith.constant 128 : i32
        %mul3A_44 = arith.muli %scan3A_24, %mul3A_43 : i32
        %dma_wait3A = tpu.memref_slice %arg7[%mul3A_44] : memref<25600xi32, #tpu.memory_space<vmem>> -> memref<128xi32, #tpu.memory_space<vmem>>
        %dma_wait3A_45 = arith.constant 0 : i32
        %dma_wait3A_46 = arith.constant 0 : i32
        %dma_wait3A_47 = tpu.memref_slice %arg5[%dma_wait3A_45, %dma_wait3A_46] : memref<208x128xf32, #tpu.memory_space<vmem_shared>> -> memref<208x128xf32, #tpu.memory_space<vmem_shared>>
        tpu.wait_indirect_dma semaphore(%arg10 : memref<!tpu.dma_semaphore, #tpu.memory_space<semaphore_mem>>) src(%dma_wait3A_47 : memref<208x128xf32, #tpu.memory_space<vmem_shared>>) dst(%arg8 : memref<128x128xf32, #tpu.memory_space<vmem>>)
        %mul3A_48 = arith.constant 128 : i32
        %mul3A_49 = arith.muli %scan3A_24, %mul3A_48 : i32
        %add3A_50 = arith.addi %mul3A_4, %mul3A_49 : i32
        "tpu.region"() ({
          %run_scoped3A = tpu.sem_alloc : memref<!tpu.dma_semaphore, #tpu.memory_space<semaphore_mem>>
          %dma_start3A_51 = arith.constant 0 : i32
          %dma_start3A_52 = tpu.memref_slice %arg4[%add3A_50, %dma_start3A_51] : memref<819200x128xf32, #tpu.memory_space<hbm>> -> memref<128x128xf32, #tpu.memory_space<hbm>>
          %dma_start3A_53 = arith.constant 0 : i32
          %dma_start3A_54 = tpu.memref_slice %arg4[%add3A_50, %dma_start3A_53] : memref<819200x128xf32, #tpu.memory_space<hbm>> -> memref<128x128xf32, #tpu.memory_space<hbm>>
          tpu.enqueue_dma source(%arg8 : memref<128x128xf32, #tpu.memory_space<vmem>>) target(%dma_start3A_54 : memref<128x128xf32, #tpu.memory_space<hbm>>) target_semaphore(%run_scoped3A : memref<!tpu.dma_semaphore, #tpu.memory_space<semaphore_mem>>)
          %dma_wait3A_55 = arith.constant 0 : i32
          %dma_wait3A_56 = tpu.memref_slice %arg4[%add3A_50, %dma_wait3A_55] : memref<819200x128xf32, #tpu.memory_space<hbm>> -> memref<128x128xf32, #tpu.memory_space<hbm>>
          %dma_wait3A_57 = arith.constant 0 : i32
          %dma_wait3A_58 = tpu.memref_slice %arg4[%add3A_50, %dma_wait3A_57] : memref<819200x128xf32, #tpu.memory_space<hbm>> -> memref<128x128xf32, #tpu.memory_space<hbm>>
          tpu.wait_dma2 semaphore(%run_scoped3A : memref<!tpu.dma_semaphore, #tpu.memory_space<semaphore_mem>>) src(%arg8 : memref<128x128xf32, #tpu.memory_space<vmem>>) dst(%dma_wait3A_58 : memref<128x128xf32, #tpu.memory_space<hbm>>)
          tpu.yield
        }) : () -> ()
      } else {
      }
      %not3A = arith.constant true
      %not3A_38 = arith.xori %eq3A_28, %not3A : i1
      %convert_element_type3A_39 = arith.extui %not3A_38 : i1 to i32
      %cond3A_40 = arith.constant 0 : i32
      %cond3A_41 = arith.cmpi ne, %convert_element_type3A_39, %cond3A_40 : i32
      scf.if %cond3A_41 {
        %mul3A_43 = arith.constant 128 : i32
        %mul3A_44 = arith.muli %scan3A_24, %mul3A_43 : i32
        %dma_wait3A = tpu.memref_slice %arg7[%mul3A_44] : memref<25600xi32, #tpu.memory_space<vmem>> -> memref<128xi32, #tpu.memory_space<vmem>>
        %dma_wait3A_45 = arith.constant 0 : i32
        %dma_wait3A_46 = arith.constant 0 : i32
        %dma_wait3A_47 = tpu.memref_slice %arg5[%dma_wait3A_45, %dma_wait3A_46] : memref<208x128xf32, #tpu.memory_space<vmem_shared>> -> memref<208x128xf32, #tpu.memory_space<vmem_shared>>
        tpu.wait_indirect_dma semaphore(%arg11 : memref<!tpu.dma_semaphore, #tpu.memory_space<semaphore_mem>>) src(%dma_wait3A_47 : memref<208x128xf32, #tpu.memory_space<vmem_shared>>) dst(%arg9 : memref<128x128xf32, #tpu.memory_space<vmem>>)
        %mul3A_48 = arith.constant 128 : i32
        %mul3A_49 = arith.muli %scan3A_24, %mul3A_48 : i32
        %add3A_50 = arith.addi %mul3A_4, %mul3A_49 : i32
        "tpu.region"() ({
          %run_scoped3A = tpu.sem_alloc : memref<!tpu.dma_semaphore, #tpu.memory_space<semaphore_mem>>
          %dma_start3A_51 = arith.constant 0 : i32
          %dma_start3A_52 = tpu.memref_slice %arg4[%add3A_50, %dma_start3A_51] : memref<819200x128xf32, #tpu.memory_space<hbm>> -> memref<128x128xf32, #tpu.memory_space<hbm>>
          %dma_start3A_53 = arith.constant 0 : i32
          %dma_start3A_54 = tpu.memref_slice %arg4[%add3A_50, %dma_start3A_53] : memref<819200x128xf32, #tpu.memory_space<hbm>> -> memref<128x128xf32, #tpu.memory_space<hbm>>
          tpu.enqueue_dma source(%arg9 : memref<128x128xf32, #tpu.memory_space<vmem>>) target(%dma_start3A_54 : memref<128x128xf32, #tpu.memory_space<hbm>>) target_semaphore(%run_scoped3A : memref<!tpu.dma_semaphore, #tpu.memory_space<semaphore_mem>>)
          %dma_wait3A_55 = arith.constant 0 : i32
          %dma_wait3A_56 = tpu.memref_slice %arg4[%add3A_50, %dma_wait3A_55] : memref<819200x128xf32, #tpu.memory_space<hbm>> -> memref<128x128xf32, #tpu.memory_space<hbm>>
          %dma_wait3A_57 = arith.constant 0 : i32
          %dma_wait3A_58 = tpu.memref_slice %arg4[%add3A_50, %dma_wait3A_57] : memref<819200x128xf32, #tpu.memory_space<hbm>> -> memref<128x128xf32, #tpu.memory_space<hbm>>
          tpu.wait_dma2 semaphore(%run_scoped3A : memref<!tpu.dma_semaphore, #tpu.memory_space<semaphore_mem>>) src(%arg9 : memref<128x128xf32, #tpu.memory_space<vmem>>) dst(%dma_wait3A_58 : memref<128x128xf32, #tpu.memory_space<hbm>>)
          tpu.yield
        }) : () -> ()
      } else {
      }
      %scan3A_42 = arith.constant 0 : i32
      scf.yield %scan3A_42 : i32
    }
    %scan3A_23 = arith.constant 200 : i32
    return
  }
}

module attributes {stable_mosaic.version = 14 : i64} {
  func.func @_table_body(%arg0: memref<208x128xf32, #tpu.memory_space<vmem>>) attributes {dimension_semantics = [], scalar_prefetch = 0 : i64, scratch_operands = 0 : i64, tpu.core_type = #tpu.core_type<tc>} {
    %iota3A = tpu.iota {dimensions = array<i32: 0>} : vector<208x128xi32>
    %iota3A_0 = tpu.iota {dimensions = array<i32: 1>} : vector<208x128xi32>
    %convert_element_type3A = arith.sitofp %iota3A : vector<208x128xi32> to vector<208x128xf32>
    %lt3A = arith.constant 64 : i32
    %lt3A_1 = vector.broadcast %lt3A : i32 to vector<208x128xi32>
    %lt3A_2 = arith.cmpi slt, %iota3A_0, %lt3A_1 : vector<208x128xi32>
    %sub3A = arith.constant 64 : i32
    %sub3A_3 = vector.broadcast %sub3A : i32 to vector<208x128xi32>
    %sub3A_4 = arith.subi %iota3A_0, %sub3A_3 : vector<208x128xi32>
    %select_n3A = arith.select %lt3A_2, %iota3A_0, %sub3A_4 : vector<208x128xi1>, vector<208x128xi32>
    %convert_element_type3A_5 = arith.sitofp %select_n3A : vector<208x128xi32> to vector<208x128xf32>
    %mul3A = arith.constant -0.146195874 : f32
    %mul3A_6 = vector.broadcast %mul3A : f32 to vector<208x128xf32>
    %mul3A_7 = arith.mulf %convert_element_type3A_5, %mul3A_6 : vector<208x128xf32>
    %exp3A = math.exp %mul3A_7 : vector<208x128xf32>
    %add3A = arith.constant 1.025000e+03 : f32
    %add3A_8 = vector.broadcast %add3A : f32 to vector<208x128xf32>
    %add3A_9 = arith.addf %add3A_8, %convert_element_type3A : vector<208x128xf32>
    %mul3A_10 = arith.mulf %add3A_9, %exp3A : vector<208x128xf32>
    %lt3A_11 = arith.constant 64 : i32
    %lt3A_12 = vector.broadcast %lt3A_11 : i32 to vector<208x128xi32>
    %lt3A_13 = arith.cmpi slt, %iota3A_0, %lt3A_12 : vector<208x128xi32>
    %sin3A = math.sin %mul3A_10 : vector<208x128xf32>
    %cos3A = math.cos %mul3A_10 : vector<208x128xf32>
    %select_n3A_14 = arith.select %lt3A_13, %sin3A, %cos3A : vector<208x128xi1>, vector<208x128xf32>
    %eq3A = arith.constant 1 : i32
    %eq3A_15 = vector.broadcast %eq3A : i32 to vector<208x128xi32>
    %eq3A_16 = arith.cmpi eq, %iota3A, %eq3A_15 : vector<208x128xi32>
    %gt3A = arith.constant 201 : i32
    %gt3A_17 = vector.broadcast %gt3A : i32 to vector<208x128xi32>
    %gt3A_18 = arith.cmpi sgt, %iota3A, %gt3A_17 : vector<208x128xi32>
    %or3A = arith.ori %eq3A_16, %gt3A_18 : vector<208x128xi1>
    %jit3A = arith.constant 0.000000e+00 : f32
    %broadcast_in_dim3A = vector.broadcast %jit3A : f32 to vector<208x128xf32>
    %select_n3A_19 = arith.select %or3A, %broadcast_in_dim3A, %select_n3A_14 : vector<208x128xi1>, vector<208x128xf32>
    %swap3A = arith.constant 0 : index
    %swap3A_20 = arith.constant 0 : index
    %swap3A_21 = vector.load %arg0[%swap3A, %swap3A_20] : memref<208x128xf32, #tpu.memory_space<vmem>>, vector<208x128xf32>
    tpu.vector_store %arg0[%swap3A, %swap3A_20], %select_n3A_19 {strides = array<i32>} : memref<208x128xf32, #tpu.memory_space<vmem>>, vector<208x128xf32>,
    return
  }
}

</mosaic_0001>

<sc_bundles>
// kernel: kernel.4.cloned.1.call-start
scs
__scs_entry_jumppad:
0x0: {  	(pc) =	sbr.rel $0x88, $3  }
0x1: {  	(tag) =	ssettag $0x0;
	lr =	simm.s32 $0x1  }
0x2: {  	[smem:$0x3FA0] =	sst lr;
	_ =	strace $0xD0000000  }
0x3: {  	_ = 	snop  }
0x4: {  	_ = 	snop  }
0x5: {  	_ = 	snop  }
0x6: {  	_ = 	snop  }
0x7: {  	_ = 	snop  }
__scs_overlays_trampoline_lowered:
0x8: {  	[smem:$0x3FAF] =	sst s0  }
0x9: {  	[smem:$0x3FB0] =	sst s1  }
0xa: {  	[smem:$0x3FB1] =	sst s2  }
0xb: {  	[smem:$0x3FB2] =	sst s3  }
0xc: {  	[smem:$0x3FB3] =	sst s4  }
0xd: {  	[smem:$0x3FB4] =	sst s5  }
0xe: {  	[smem:$0x3FB5] =	sst s6  }
0xf: {  	[smem:$0x3FB6] =	sst s7  }
0x10: {  	[smem:$0x3FB7] =	sst s8  }
0x11: {  	[smem:$0x3FB8] =	sst s9;
	s0 =	simm.s32 @!p0 $0x0  }
0x12: {  	s1 =	sld [smem:$0x3F9E];
	s0 =	simm.s32 @p0 $0x1  }
0x13: {  	[smem:$0x3FB9] =	sst s0;
	s0 =	simm.s32 @!p1 $0x0  }
0x14: {  	s2 =	sld [smem:$0x3F9D];
	s0 =	simm.s32 @p1 $0x1  }
0x15: {  	[smem:$0x3FBA] =	sst s0;
	s0 =	simm.s32 @!p2 $0x0  }
0x16: {  	s3 =	sld [smem:$0x3FDB];
	s0 =	simm.s32 @p2 $0x1  }
0x17: {  	s4 =	simm.s32 $0x1BF5;
	[smem:$0x3FBC] =	sst s0  }
0x18: {  	s0 =	sld [smem:$0x3F9F];
	_ =	swait.ge [sflag:s4], $0x0  }
0x19: {  	s7 =	sld [smem:$0x3FA0]  }
0x1a: {  	s8 =	sadd.s32 $0xFFFFE003, lr  }
0x1b: {  	s9 =	sadd.s32 $0xFFFFFEF7, lr;
	s5 =	simm.s32 $0xFFFFFFFF;
	p2 =	slt.u32 s8, $0xFFFFF086  }
0x1c: {  	p1 =	slt.u32 s9, $0xF7A;
	s5 =	simm.s32 @!p2 $0x0  }
0x1d: {  	s5 =	simm.s32 @p1 $0x1;
	p0 =	seq.s32 s7, s2  }
0x1e: {  	s7 =	smul.u32 @!p0 $0xF7A, s2;
	p2 =	seq.s32 @!p0 s5, $0x0  }
0x1f: {  	s9 =	smul.u32 $0xF7A, s1;
	s8 =	simm.s32 @!p0 $0x1BF5;
	p2 =	por !p2, p0  }
0x20: {  	[sflag:s8] =	ssyncset.s32 @!p0 $0xFFFFF086;
	s6 =	sadd.s32 @!p0 s3, s7;
	s7 =	simm.s32 @!p0 $0x108  }
0x21: {  	s3 =	sadd.s32 s3, s9;
	s6 =	sadd.s32 @!p0 $0x88, s6;
	s7 =	simm.s32 @p2 $0x1082  }
0x22: {  	[simem:s7], [sflag:s8] =	dma.local @!p0 [hbm:s6], $0xF7A  }
0x23: {  	s9 =	sor.u32 $0xD0000000, s2;
	s6 =	simm.s32 $0x108;
	_ =	swait.ge @!p0 [sflag:s8], $0x0  }
0x24: {  	s3 =	sadd.s32 $0x88, s3;
	s6 =	simm.s32 @!p1 $0x1082;
	[sflag:s4] =	ssyncset.s32 $0xFFFFF086  }
0x25: {  	[simem:s6], [sflag:s4] =	dma.local [hbm:s3], $0xF7A  }
0x26: {  	[smem:$0x3FA0] =	sst s1;
	(tag) =	ssettag s2;
	_ =	strace s9  }
0x27: {  	s1 =	sld [smem:$0x3FB0]  }
0x28: {  	s2 =	sld [smem:$0x3FB1]  }
0x29: {  	s4 =	sld [smem:$0x3FB3]  }
0x2a: {  	p0 =	seq.s32 s5, $0x0;
	s5 =	sld [smem:$0x3FB4]  }
0x2b: {  	s6 =	sld [smem:$0x3FB5]  }
0x2c: {  	s7 =	sld [smem:$0x3FB6]  }
0x2d: {  	s3 =	simm.s32 $0x108;
	s8 =	sld [smem:$0x3FB7]  }
0x2e: {  	s3 =	simm.s32 @!p0 $0x1082;
	s9 =	sld [smem:$0x3FB8]  }
0x2f: {  	lr =	sadd.s32 s0, s3;
	s0 =	sld [smem:$0x3FAF]  }
0x30: {  	s3 =	sld [smem:$0x3FB2]  }
0x31: {  	[smem:$0x3FBB] =	sst s10  }
0x32: {  	s10 =	sld [smem:$0x3FB9];
	_ =	sdelay $0x3  }
0x33: {  	p0 =	seq.s32 s10, $0x1;
	s10 =	sld [smem:$0x3FBB];
	_ =	sdelay $0x3  }
0x34: {  	[smem:$0x3FBB] =	sst s10  }
0x35: {  	s10 =	sld [smem:$0x3FBA];
	_ =	sdelay $0x3  }
0x36: {  	p1 =	seq.s32 s10, $0x1;
	s10 =	sld [smem:$0x3FBB];
	_ =	sdelay $0x3  }
0x37: {  	[smem:$0x3FBB] =	sst s10  }
0x38: {  	s10 =	sld [smem:$0x3FBC]  }
0x39: {  	_ = 	snop;
	(pc) =	sbr.ind lr, $3  }
0x3a: {  	_ = 	snop  }
0x3b: {  	_ = 	snop  }
0x3c: {  	p2 =	seq.s32 s10, $0x1;
	s10 =	sld [smem:$0x3FBB]  }
0x3d: {  	_ =	shalt  }
0x3e: {  	_ =	shalt  }
0x3f: {  	_ =	shalt  }
0x40: {  	_ =	shalt  }
0x41: {  	_ =	shalt  }
0x42: {  	_ =	shalt  }
0x43: {  	_ =	shalt  }
0x44: {  	_ =	shalt  }
0x45: {  	_ =	shalt  }
0x46: {  	_ =	shalt  }
0x47: {  	_ =	shalt  }
0x48: {  	_ =	shalt  }
0x49: {  	_ =	shalt  }
0x4a: {  	_ =	shalt  }
0x4b: {  	_ =	shalt  }
0x4c: {  	_ =	shalt  }
0x4d: {  	_ =	shalt  }
0x4e: {  	_ =	shalt  }
0x4f: {  	_ =	shalt  }
0x50: {  	_ =	shalt  }
0x51: {  	_ =	shalt  }
0x52: {  	_ =	shalt  }
0x53: {  	_ =	shalt  }
0x54: {  	_ =	shalt  }
0x55: {  	_ =	shalt  }
0x56: {  	_ =	shalt  }
0x57: {  	_ =	shalt  }
0x58: {  	_ =	shalt  }
0x59: {  	_ =	shalt  }
0x5a: {  	_ =	shalt  }
0x5b: {  	_ =	shalt  }
0x5c: {  	_ =	shalt  }
0x5d: {  	_ =	shalt  }
0x5e: {  	_ =	shalt  }
0x5f: {  	_ =	shalt  }
0x60: {  	_ =	shalt  }
0x61: {  	_ =	shalt  }
0x62: {  	_ =	shalt  }
0x63: {  	_ =	shalt  }
0x64: {  	_ =	shalt  }
0x65: {  	_ =	shalt  }
0x66: {  	_ =	shalt  }
0x67: {  	_ =	shalt  }
0x68: {  	_ =	shalt  }
0x69: {  	_ =	shalt  }
0x6a: {  	_ =	shalt  }
0x6b: {  	_ =	shalt  }
0x6c: {  	_ =	shalt  }
0x6d: {  	_ =	shalt  }
0x6e: {  	_ =	shalt  }
0x6f: {  	_ =	shalt  }
0x70: {  	_ =	shalt  }
0x71: {  	_ =	shalt  }
0x72: {  	_ =	shalt  }
0x73: {  	_ =	shalt  }
0x74: {  	_ =	shalt  }
0x75: {  	_ =	shalt  }
0x76: {  	_ =	shalt  }
0x77: {  	_ =	shalt  }
0x78: {  	_ =	shalt  }
0x79: {  	_ =	shalt  }
0x7a: {  	_ =	shalt  }
0x7b: {  	_ =	shalt  }
0x7c: {  	_ =	shalt  }
0x7d: {  	_ =	shalt  }
0x7e: {  	_ =	shalt  }
0x7f: {  	_ =	shalt  }
0x80: {  	_ =	shalt  }
0x81: {  	_ =	shalt  }
0x82: {  	_ =	shalt  }
0x83: {  	_ =	shalt  }
0x84: {  	_ =	shalt  }
0x85: {  	_ =	shalt  }
0x86: {  	_ =	shalt  }
0x87: {  	_ =	shalt  }
.Lfunc_end0:
.L_simem_size_0:
called_computation_lowered:
.L_overlay_start_0:
0x88: {  	s2 =	sld [smem:$0x3FD9]  }
0x89: {  	s3 =	sld [smem:$0x3FFE];
	_ =	sdelay $0x1  }
0x8a: {  	s1 =	srdreg.scid  }
0x8b: {  	s0 =	sand.u32 $0x1, s1  }
0x8c: {  	s17 =	sshll.u32 s0, $0xA;
	s2 =	sadd.s32 s3, s2  }
0x8d: {  	s2 =	sadd.s32 s2, s17  }
0x8e: {  	[smem:$0x3FC7] =	sst s2  }
0x8f: {  	_ = 	snop  }
0x90: {  	s2 =	sld [smem:$0x3FD0];
	(tm) =	ssettm $0x1  }
0x91: {  	s18 =	sld [smem:$0x3FFB];
	_ =	sdelay $0x3  }
0x92: {  	_ =	strace s18  }
0x93: {  	s3 =	sld [smem:$0x3FFC];
	_ =	sdelay $0x3  }
0x94: {  	_ =	strace s3  }
0x95: {  	s3 =	sld [smem:$0x3FFD];
	_ =	sdelay $0x3  }
0x96: {  	_ =	strace s3  }
0x97: {  	_ =	strace $0x8FFFFFFF  }
0x98: {  	s19 =	sld [smem:$0x3FDB];
	_ =	sdelay $0x1  }
0x99: {  	s4 =	simm.s32 $_scs_section_size  }
0x9a: {  	s5 =	simm.s32 $_size__tile_overlayer_lowered;
	s6 =	simm.s32 $_tile_overlayer_lowered  }
0x9b: {  	s22 =	simm.s32 $0x1BFF;
	s21 =	sshll.u32 s6, $0x1;
	s3 =	sadd.s32 s4, s19  }
0x9c: {  	s7 =	simm.s32 $0x0;
	s20 =	sshll.u32 s5, $0x1;
	s5 =	sadd.s32 s21, s3  }
0x9d: {  	[timem:s7], [sflag:s22] =	dma.local [hbm:s5], s20  }
0x9e: {  	_ =	swait.ge [sflag:s22], s20  }
0x9f: {  	s4 =	ssub.s32 $0x0, s20;
	[sflag:s22] =	ssyncset.done $0x0  }
0xa0: {  	[sflag:s22] =	ssyncadd.s32 s4;
	_ =	sdelay $0x1  }
0xa1: {  	s23 =	simm.s32 $0x1B8B  }
0xa2: {  	_ =	swait.ge [sflag:s23], $0x1  }
0xa3: {  	[sflag:s23] =	ssyncset.done $0x0  }
0xa4: {  	s25 =	simm.s32 $0x1B8E;
	s24 =	sld [smem:$0x3FFE];
	[sflag:s23] =	ssyncadd.s32 $0xFFFFFFFF  }
0xa5: {  	s26 =	simm.s32 $execute0_lowered;
	[smem:$0x3FD2] =	sst s25  }
0xa6: {  	s5 =	sshll.u32 s26, $0x1;
	_ =	strace $0x80000046;
	[dreg:$0x1] =	wrdreg $0xFFFFFFFF  }
0xa7: {  	s28 =	simm.s32 $_size_execute0_lowered;
	s3 =	sadd.s32 s3, s5;
	[dreg:$0x0] =	wrdreg $0x0  }
0xa8: {  	s5 =	sshll.u32 s28, $0x1;
	[dreg:$0x2] =	wrdreg s3  }
0xa9: {  	[dreg:$0x3] =	wrdreg s5  }
0xaa: {  	[dreg:$0x4] =	wrdreg $0xC0  }
0xab: {  	_ =	task [dreg:s7], $0x5FFFF  }
0xac: {  	[dreg:$0x1] =	wrdreg $0xFFFFFFFF  }
0xad: {  	[dreg:$0x0] =	wrdreg $0x60  }
0xae: {  	[dreg:$0x2] =	wrdreg s24  }
0xaf: {  	[dreg:$0x3] =	wrdreg s2  }
0xb0: {  	[dreg:$0x4] =	wrdreg $0x0  }
0xb1: {  	[dreg:$0x5] =	wrdreg $0x9  }
0xb2: {  	_ =	task.clear_ibuf [dreg:s7], $0x6FFFF;
	_ =	strace $0x90000046  }
0xb3: {  	s29 =	simm.s32 $0x9;
	_ =	strace $0x80000048  }
0xb4: {  	_ =	swait.ge [sflag:s29], $0x1  }
0xb5: {  	[sflag:s29] =	ssyncadd.s32 $0xFFFFFFFF  }
0xb6: {  	_ =	strace $0x90000048  }
0xb7: {  	_ =	sfence  }
0xb8: {  	s30 =	sld [smem:$0x0];
	_ =	sdelay $0x2  }
0xb9: {  	s31 =	sshll.u32 s1, $0xD;
	s1 =	sshrl.u32 s1, $0x2  }
0xba: {  	s3 =	sand.u32 $0x4000, s31;
	s1 =	sadd.s32 s1, s30  }
0xbb: {  	s0 =	sor.u32 s3, s0;
	s1 =	sshll.u32 s1, $0x11  }
0xbc: {  	s0 =	sor.u32 s1, s0  }
0xbd: {  	s0 =	sadd.s32 $0x8F2B, s0  }
0xbe: {  	[sflag:s0] =	ssyncadd.remote.s32 $0x1  }
0xbf: {  	_ =	sfence.sel $0xFFFF  }
0xc0: {  	[dreg:$0x0] =	wrdreg $0xFFFFFFFF;
	(pc) =	sbr.abs _section_cstart, $3  }
0xc1: {  	[dreg:$0x1] =	wrdreg $0xFFFFFFFF  }
0xc2: {  	_ =	task.clear_ibuf [dreg:s7], $0x2FFFF;
	_ =	strace $0x9FFFFFFF  }
0xc3: {  	(tm) =	ssettm $0x7FFFFFFF  }
tec
execute0_lowered:
.L_overlay_start_1:
0x0: {  	(tag) =	ssettag $0x1  }
0x1: {  	s4 =	rddreg [dreg:$0x0]  }
0x2: {  	s0 =	srdreg.scid;
	s7 =	rddreg [dreg:$0x1]  }
0x3: {  	s8 =	stileid.u32;
	s1 =	rddreg [dreg:$0x2];
	s2 =	simm.s32 $0x0  }
0x4: {  	s13 =	simm.s32 $0xCE80;
	s14 =	simm.s32 $0x2;
	s15 =	simm.s32 $0x10E80  }
0x5: {  	s16 =	simm.s32 $0x0;
	s3 =	sand.u32 $0x1, s0;
	s0 =	rddreg [dreg:$0x3]  }
0x6: {  	s26 =	sshll.u32 s8, $0x1;
	[smem:$0x7FF] =	sst s2;
	s10 =	smul.u32 $0x640000, s8  }
0x7: {  	p0 =	sne.s32 s8, $0x0;
	s5 =	sor.u32 s3, s26;
	s9 =	ssub.s32 $0x2, s3  }
0x8: {  	_ =	strace $0x80000047;
	s12 =	smul.u32 $0x320000, s3;
	s3 =	sadd.s32 $0x600, s4  }
0x9: {  	s8 =	sshrl.u32 @!p0 s1, $0x3;
	s6 =	smul.u32 $0xC80, s5;
	s11 =	sshrl.u32 s9, $0x1  }
0xa: {  	s5 =	smul.u32 $0x320000, s5;
	s28 =	ssub.s32 s9, s11;
	s10 =	sadd.s32 s12, s10  }
0xb: {  	s9 =	simm.s32 $0x680;
	s11 =	simm.s32 $0x6A80;
	s12 =	simm.s32 $0x80  }
0xc: {  	s4 =	sadd.s32 s6, s4;
	s29 =	sshrl.u32 s5, $0x3;
	s5 =	smax.u32 s28, $0x1  }
0xd: {  	v0 =	vlaneseq.u32;
	s31 =	sshrl.u32 s10, $0x3;
	s10 =	simm.s32 $0x3;
	s30 =	sadd.s32 s7, s29  }
0xe: {  	v0 =	vmul.u32 $0xC8, v0;
	s4 =	sadd.s32 $0x1400, s4;
	s7 =	sadd.s32 s31, s7;
	s6 =	sadd.s32 $0x63800, s30  }
.LBB2_1:
0xf: {  	s17 =	simm.s32 @!p0 $0x1C03  }
0x10: {  	[spmem:s8], [sflag:s17] =	dma.local @!p0 [hbm:s3], $0xD00  }
0x11: {  	s17 =	simm.s32 @!p0 $0x3  }
0x12: {  	_ =	swait.ge @!p0 [sflag:s17], $0xD00  }
0x13: {  	[sflag:s17] =	ssyncset.done @!p0 $0x0  }
0x14: {  	[sflag:s17] =	ssyncadd.s32 @!p0 $0xFFFFF300  }
0x15: {  	[bflag:$0x0] =	sbarrier.arrive $0xFFFF  }
0x16: {  	[tilespmem:s9], [sflag:$0x3] =	stream.linear.gather [hbm4b:s4+s2], $0x6400, $0x38;
	[tilespmem:$0x14E80] =	vst v63  }
0x17: {  	_ =	swait.ge [sflag:s10], $0x6400  }
0x18: {  	[sflag:s10] =	ssyncset.done $0x0  }
0x19: {  	s17 =	simm.s32 $0x0;
	[sflag:s10] =	ssyncadd.s32 $0xFFFF9C00  }
.LBB2_2:
0x1a: {  	s18 =	sshll.u32 s17, $0x4  }
0x1b: {  	v1 =	vmov s18  }
0x1c: {  	v1 =	vmul.u32 $0xC8, v1;
	_ =	sdelay $0x1  }
0x1d: {  	v1 =	vbroadcast v1, $0x0;
	_ =	sdelay $0x1  }
0x1e: {  	v3 =	vadd.s32 v0, v1;
	_ =	sdelay $0x4  }
0x1f: {  	v2 =	vimm.s32 $0x0;
	s19 =	simm.s32 $0x1;
	v4 =	vimm.s32 $0x0;
	s18 =	simm.s32 $0x0;
	v1 =	vmov v3;
	v5 =	vld.idx.msk [tilespmem:v3+s9+$0x0], $0xffff  }
.LBB2_3:
0x20: {  	p1 =	sne.s32 s19, $0xC7;
	_ =	sdelay $0x4  }
0x21: {  	v3 =	vadd.s32 $0x1, v3;
	vm0 =	veq.s32 v5, $0x4;
	vm1 =	veq.s32 v5, $0x1  }
.Ltmp0:
0x22: {  	s20 =	sadd.s32 $0x2, s18;
	v2 =	vsel vm0, s18, v2;
	v4 =	vsel vm1, $0x1, v4;
	s18 =	smov.u32 s19;
	(pc) =	sbr.rel @p1 .LBB2_3-.Ltmp0, $4  }
0x23: {  	vm0 =	veq.s32 v4, $0x0;
	v5 =	vsub.s32 s20, v2  }
0x24: {  	v5 =	vnsel vm0, $0x1, v5  }
0x25: {  	[tilespmem:v1+s11+$0x0] =	vst.idx.msk $0xffff, v5;
	v1 =	vmov v3  }
0x26: {  	s19 =	sadd.s32 $0x1, s19;
	v5 =	vld.idx.msk [tilespmem:v3+s9+$0x0], $0xffff  }
0x27: {  	_ =	sdelay $0x1  }
0x28: {  	s17 =	sadd.s32 $0x1, s17  }
0x29: {  	p1 =	sne.s32 s17, $0x8  }
.Ltmp1:
0x2a: {  	vm0 =	veq.s32 v5, $0x4;
	vm1 =	veq.s32 v5, $0x1;
	(pc) =	sbr.rel @p1 .LBB2_2-.Ltmp1, $4  }
0x2b: {  	s31 =	sadd.s32 $0x2, s18;
	v2 =	vsel vm0, s18, v2;
	v3 =	vsel vm1, $0x1, v4  }
0x2c: {  	vm15 =	veq.s32 v3, $0x0;
	v2 =	vsub.s32 s31, v2  }
0x2d: {  	v2 =	vnsel vm15, $0x1, v2  }
0x2e: {  	[tilespmem:v1+s11+$0x0] =	vst.idx.msk $0xffff, v2  }
0x2f: {  	[tilespmem:s13], [sflag:$0x1] =	stream.indirect.gather [spmem:s1], $0x80, s11, s12, $0xb8;
	[tilespmem:$0x14E80] =	vst v63  }
0x30: {  	s17 =	simm.s32 $0x0  }
0x31: {  	s17 =	sand.u32 $0x1, s17  }
0x32: {  	s18 =	simm.s32 $0x6B00;
	p1 =	seq.s32 s17, $0x1  }
0x33: {  	s17 =	simm.s32 @p1 $0x80;
	s19 =	simm.s32 @p1 $0xCE80;
	s20 =	simm.s32 @p1 $0x2  }
0x34: {  	[tilespmem:s19], [sflag:$0x1] =	stream.indirect.gather @p1 [spmem:s1], $0x80, s18, s17, $0xb8;
	[tilespmem:$0x14E80] =	vst v63  }
0x35: {  	_ =	swait.ge @p1 [sflag:s20], $0x4000  }
0x36: {  	[sflag:s20] =	ssyncset.done @p1 $0x0  }
0x37: {  	s17 =	simm.s32 @p1 $0x0;
	s19 =	simm.s32 @p1 $0x10E80;
	[sflag:s20] =	ssyncadd.s32 @p1 $0xFFFFC000  }
0x38: {  	[hbm4b:s7+s17] =	stream.linear.scatter @p1 [tilespmem:s19], [sflag:$0x3], $0x4000, $0x38;
	[tilespmem:$0x14E80] =	vst v63  }
0x39: {  	s21 =	simm.s32 @!p1 $0x1;
	s17 =	simm.s32 @!p1 $0x80;
	s19 =	simm.s32 @!p1 $0x10E80  }
0x3a: {  	[tilespmem:s19], [sflag:$0x2] =	stream.indirect.gather @!p1 [spmem:s1], $0x80, s18, s17, $0xb8;
	[tilespmem:$0x14E80] =	vst v63  }
0x3b: {  	s20 =	simm.s32 @!p1 $0x4;
	_ =	swait.ge @!p1 [sflag:s21], $0x4000  }
0x3c: {  	s31 =	simm.s32 $0x1;
	s20 =	simm.s32 @p1 $0x3;
	[sflag:s21] =	ssyncset.done @!p1 $0x0  }
0x3d: {  	s18 =	simm.s32 @!p1 $0xCE80;
	[sflag:s21] =	ssyncadd.s32 @!p1 $0xFFFFC000;
	s21 =	simm.s32 @!p1 $0x0  }
0x3e: {  	[hbm4b:s7+s21] =	stream.linear.scatter @!p1 [tilespmem:s18], [sflag:$0x4], $0x4000, $0x38;
	[tilespmem:$0x14E80] =	vst v63  }
0x3f: {  	s19 =	simm.s32 $0x2;
	s17 =	sand.u32 $0x1, s31;
	s18 =	simm.s32 $0x6B80  }
0x40: {  	p1 =	seq.s32 s17, $0x1;
	s17 =	sadd.s32 $0x800, s7;
	_ =	swait.ge [sflag:s20], $0x4000  }
.LBB2_6:
0x41: {  	s21 =	simm.s32 @p1 $0x80;
	s22 =	simm.s32 @p1 $0xCE80  }
0x42: {  	[sflag:s20] =	ssyncset.done $0x0;
	s23 =	smov.u32 s19;
	s24 =	smov.u32 s18  }
0x43: {  	s19 =	sadd.s32 $0x1, s19;
	s25 =	simm.s32 @p1 $0x2;
	[sflag:s20] =	ssyncadd.s32 $0xFFFFC000  }
0x44: {  	[tilespmem:s22], [sflag:$0x1] =	stream.indirect.gather @p1 [spmem:s1], $0x80, s18, s21, $0xb8;
	[tilespmem:$0x14E80] =	vst v63  }
0x45: {  	p2 =	sne.s32 s19, $0xC7;
	_ =	swait.ge @p1 [sflag:s25], $0x4000  }
0x46: {  	s18 =	sadd.s32 $0x80, s18;
	[sflag:s25] =	ssyncset.done @p1 $0x0  }
0x47: {  	s20 =	simm.s32 @p1 $0x0;
	s21 =	simm.s32 @p1 $0x10E80;
	[sflag:s25] =	ssyncadd.s32 @p1 $0xFFFFC000  }
0x48: {  	[hbm4b:s17+s20] =	stream.linear.scatter @p1 [tilespmem:s21], [sflag:$0x3], $0x4000, $0x38;
	[tilespmem:$0x14E80] =	vst v63  }
0x49: {  	s22 =	simm.s32 @!p1 $0x1;
	s20 =	simm.s32 @!p1 $0x80;
	s21 =	simm.s32 @!p1 $0x10E80  }
0x4a: {  	[tilespmem:s21], [sflag:$0x2] =	stream.indirect.gather @!p1 [spmem:s1], $0x80, s24, s20, $0xb8;
	[tilespmem:$0x14E80] =	vst v63  }
.Ltmp2:
0x4b: {  	s21 =	sand.u32 $0x1, s23;
	_ =	swait.ge @!p1 [sflag:s22], $0x4000;
	(pc) =	sbr.rel @p2 .LBB2_6-.Ltmp2, $4  }
0x4c: {  	s23 =	simm.s32 @!p1 $0xCE80;
	s20 =	simm.s32 @!p1 $0x4;
	[sflag:s22] =	ssyncset.done @!p1 $0x0  }
0x4d: {  	s20 =	simm.s32 @p1 $0x3;
	[sflag:s22] =	ssyncadd.s32 @!p1 $0xFFFFC000;
	s22 =	simm.s32 @!p1 $0x0  }
0x4e: {  	[hbm4b:s17+s22] =	stream.linear.scatter @!p1 [tilespmem:s23], [sflag:$0x4], $0x4000, $0x38;
	[tilespmem:$0x14E80] =	vst v63  }
0x4f: {  	p1 =	seq.s32 s21, $0x1;
	s17 =	sadd.s32 $0x800, s17;
	_ =	swait.ge [sflag:s20], $0x4000  }
0x50: {  	s19 =	simm.s32 @p1 $0x80;
	[sflag:s20] =	ssyncset.done $0x0  }
0x51: {  	s21 =	simm.s32 @p1 $0xCE80;
	s22 =	simm.s32 @p1 $0x2;
	[sflag:s20] =	ssyncadd.s32 $0xFFFFC000  }
0x52: {  	[tilespmem:s21], [sflag:$0x1] =	stream.indirect.gather @p1 [spmem:s1], $0x80, s18, s19, $0xb8;
	[tilespmem:$0x14E80] =	vst v63  }
0x53: {  	_ =	swait.ge @p1 [sflag:s22], $0x4000  }
0x54: {  	[sflag:s22] =	ssyncset.done @p1 $0x0  }
0x55: {  	s20 =	simm.s32 @p1 $0x10E80;
	s19 =	simm.s32 @p1 $0x0;
	[sflag:s22] =	ssyncadd.s32 @p1 $0xFFFFC000  }
0x56: {  	[hbm4b:s17+s19] =	stream.linear.scatter @p1 [tilespmem:s20], [sflag:$0x3], $0x4000, $0x38;
	[tilespmem:$0x14E80] =	vst v63  }
0x57: {  	s21 =	simm.s32 @!p1 $0x1;
	s19 =	simm.s32 @!p1 $0x80;
	s20 =	simm.s32 @!p1 $0x10E80  }
0x58: {  	[tilespmem:s20], [sflag:$0x2] =	stream.indirect.gather @!p1 [spmem:s1], $0x80, s18, s19, $0xb8;
	[tilespmem:$0x14E80] =	vst v63  }
0x59: {  	_ =	swait.ge @!p1 [sflag:s21], $0x4000  }
0x5a: {  	s18 =	simm.s32 @!p1 $0xCE80;
	s19 =	simm.s32 @!p1 $0x4;
	[sflag:s21] =	ssyncset.done @!p1 $0x0  }
0x5b: {  	s20 =	simm.s32 @!p1 $0x0;
	s19 =	simm.s32 @p1 $0x3;
	[sflag:s21] =	ssyncadd.s32 @!p1 $0xFFFFC000  }
0x5c: {  	[hbm4b:s17+s20] =	stream.linear.scatter @!p1 [tilespmem:s18], [sflag:$0x4], $0x4000, $0x38;
	[tilespmem:$0x14E80] =	vst v63  }
0x5d: {  	_ =	swait.ge [sflag:s19], $0x4000  }
0x5e: {  	[sflag:s19] =	ssyncset.done $0x0  }
0x5f: {  	[sflag:s19] =	ssyncadd.s32 $0xFFFFC000  }
0x60: {  	s16 =	sadd.s32 $0x1, s16;
	_ =	swait.ge [sflag:s14], $0x4000  }
0x61: {  	p1 =	sne.s32 s16, s5;
	[sflag:s14] =	ssyncset.done $0x0  }
.Ltmp3:
0x62: {  	[sflag:s14] =	ssyncadd.s32 $0xFFFFC000;
	(pc) =	sbr.rel @p1 .LBB2_1-.Ltmp3, $4  }
0x63: {  	[hbm4b:s6+s2] =	stream.linear.scatter [tilespmem:s15], [sflag:$0x3], $0x4000, $0x38;
	[tilespmem:$0x14E80] =	vst v63  }
0x64: {  	_ =	swait.ge [sflag:s10], $0x4000  }
0x65: {  	[sflag:s10] =	ssyncset.done $0x0  }
0x66: {  	[sflag:s10] =	ssyncadd.s32 $0xFFFFC000  }
0x67: {  	_ =	sfence.sel $0x180000  }
0x68: {  	[bflag:$0x0] =	sbarrier.arrive $0xFFFF  }
0x69: {  	_ =	strace $0x90000047  }
0x6a: {  	s0 =	sadd.s32 @!p0 $0x100000, s0;
	[bflag:$0x2] =	sbarrier.arrive $0xFFFF  }
0x6b: {  	[sflag:s0] =	ssyncadd.tile.s32 @!p0 $0x1;
	_ =	shalt  }
.Lfunc_end2:
_tile_overlayer_lowered:
.L_overlay_start_2:
0x6c: {  	(tag) =	ssettag $0x2  }
0x6d: {  	s0 =	rddreg [dreg:$0x0];
	s2 =	stileid.u32  }
0x6e: {  	s1 =	rddreg [dreg:$0x1];
	p0 =	sne.s32 s2, $0x0  }
0x6f: {  	s3 =	rddreg [dreg:$0x2];
	[bflag:$0x3] =	sbarrier.arrive $0xFFFF;
	s2 =	simm.s32 @!p0 $0x1C03  }
0x70: {  	[timem:s3], [sflag:s2] =	dma.local @!p0 [hbm:s0], s1  }
0x71: {  	s0 =	simm.s32 @!p0 $0x3  }
0x72: {  	_ =	swait.ge @!p0 [sflag:s0], s1  }
0x73: {  	s1 =	ssub.s32 @!p0 $0x0, s1;
	[sflag:s0] =	ssyncset.done @!p0 $0x0  }
0x74: {  	[sflag:s0] =	ssyncadd.s32 @!p0 s1  }
0x75: {  	[bflag:$0x3] =	sbarrier.arrive $0xFFFF  }
0x76: {  	_ =	shalt  }

</sc_bundles>
